<compile_context>
chip_gen: v7x
topology: tpu7x:2x2x1
jax: 0.10.2.dev20260603
libtpu: 0.0.44.dev20260713+nightly
codegen_flags: <defaults>
</compile_context>

<pallas_src>
import functools
import math

import jax
import jax.numpy as jnp
from jax import lax
from jax.experimental import pallas as pl
from jax.experimental.pallas import tpu as pltpu
from jax.experimental.pallas import tpu_sc as plsc

HIDDEN = 1024
MEM = 512
BUCKETS = 100000
SLOTS = 8
SLOT_DIM = MEM // SLOTS
N = 16384

NC = 2
NS = 16
NW = NC * NS
ROWS_PER_W = N // NW
CHUNK = 128
CHUNKS_PER_SLOT = ROWS_PER_W // CHUNK


def _sc_gather(table_hbm, idx_hbm, out_hbm, idx_v, rows_v, sem):
    wid = lax.axis_index("s") * NC + lax.axis_index("c")
    n0 = wid * ROWS_PER_W
    pltpu.sync_copy(idx_hbm.at[:, pl.ds(n0, ROWS_PER_W)], idx_v)

    def body(j, carry):
        s = j // CHUNKS_PER_SLOT
        k = j % CHUNKS_PER_SLOT
        pltpu.async_copy(
            table_hbm.at[s].at[idx_v.at[s, pl.ds(k * CHUNK, CHUNK)]],
            rows_v, sem).wait()
        pltpu.sync_copy(
            rows_v, out_hbm.at[s, pl.ds(n0 + k * CHUNK, CHUNK), :])
        return carry

    lax.fori_loop(0, SLOTS * CHUNKS_PER_SLOT, body, 0)


def _make_gather_call():
    return functools.partial(
        pl.kernel,
        out_type=jax.ShapeDtypeStruct((SLOTS, N, 2 * SLOT_DIM), jnp.float32),
        mesh=plsc.VectorSubcoreMesh(core_axis_name="c", subcore_axis_name="s",
                                    num_cores=NC, num_subcores=NS),
        scratch_types=[
            pltpu.VMEM((SLOTS, ROWS_PER_W), jnp.int32),
            pltpu.VMEM((CHUNK, 2 * SLOT_DIM), jnp.float32),
            pltpu.SemaphoreType.DMA,
        ],
        compiler_params=pltpu.CompilerParams(use_tc_tiling_on_sc=True),
    )(_sc_gather)


def _dense_body(hid_ref, mem_ref, wkt_ref, wvt_ref, qn_ref, kn_ref,
                vn_ref, cw_ref, cb_ref, out_ref):
    eps = 1e-8
    q = hid_ref[...]
    q = q * lax.rsqrt(jnp.mean(q * q, axis=-1, keepdims=True) + eps)
    q = q * qn_ref[...]
    x = mem_ref[...]
    m = jnp.concatenate([x[s, :, :SLOT_DIM] for s in range(SLOTS)], axis=-1)
    m_hi = m.astype(jnp.bfloat16)

    def matmul(w):
        return jnp.dot(m_hi, w.astype(jnp.bfloat16),
                       preferred_element_type=jnp.float32)

    k = matmul(wkt_ref[...])
    k = k * lax.rsqrt(jnp.mean(k * k, axis=-1, keepdims=True) + eps)
    k = k * kn_ref[...]
    v = matmul(wvt_ref[...])
    v = v * lax.rsqrt(jnp.mean(v * v, axis=-1, keepdims=True) + eps)
    v = v * vn_ref[...]
    logits = jnp.sum(q * k, axis=-1, keepdims=True) * (1.0 / math.sqrt(HIDDEN))
    alpha = jax.nn.sigmoid(logits)
    g = alpha * v
    co = g * cw_ref[...] + cb_ref[...]
    out_ref[...] = co * jax.nn.sigmoid(co) + g


def kernel(hidden, batch_ngram_bucket_ids, tables, Wk, Wv, qn_w, kn_w, vn_w,
           conv_w, conv_b):
    idx = jnp.asarray(batch_ngram_bucket_ids, jnp.int32).T
    tab128 = jnp.pad(tables, ((0, 0), (0, 0), (0, SLOT_DIM)))

    rows = _make_gather_call()(tab128, idx)

    bn = 1024
    grid = (N // bn,)
    full = lambda i: (0, 0)
    vec = lambda x: x.reshape(1, HIDDEN)
    out = pl.pallas_call(
        _dense_body,
        grid=grid,
        in_specs=[
            pl.BlockSpec((bn, HIDDEN), lambda i: (i, 0)),
            pl.BlockSpec((SLOTS, bn, 2 * SLOT_DIM), lambda i: (0, i, 0)),
            pl.BlockSpec((MEM, HIDDEN), full),
            pl.BlockSpec((MEM, HIDDEN), full),
            pl.BlockSpec((1, HIDDEN), full),
            pl.BlockSpec((1, HIDDEN), full),
            pl.BlockSpec((1, HIDDEN), full),
            pl.BlockSpec((1, HIDDEN), full),
            pl.BlockSpec((1, HIDDEN), full),
        ],
        out_specs=pl.BlockSpec((bn, HIDDEN), lambda i: (i, 0)),
        out_shape=jax.ShapeDtypeStruct((N, HIDDEN), jnp.float32),
    )(hidden, rows, Wk.T, Wv.T, vec(qn_w), vec(kn_w), vec(vn_w),
      vec(conv_w[:, 0, 2]), vec(conv_b))
    return out

# --- scband reference (transcript-rebuilt; emitter-appended) ---
"""Pipeline reference for scband-engram-memory-17910013624482 (READ-ONLY COPY).

The authoritative reference and input builder live on the scoring server;
editing this copy changes nothing except your own understanding.
"""

import math
import jax, jax.numpy as jnp
import numpy as np

HIDDEN = 1024
MEM = 512
BUCKETS = 100000
SLOTS = 8  # (max_ngram-1)*num_heads_per_ngram
SLOT_DIM = MEM // SLOTS
N = 16384

def _rmsnorm(x, w, eps=1e-8):
    rms = jnp.sqrt(jnp.mean(x * x, axis=-1, keepdims=True) + eps)
    return x / rms * w

def setup_inputs(seed: int = 0) -> dict:
    key = jax.random.key(seed)
    ks = jax.random.split(key, 10)
    hidden = jax.random.normal(ks[0], (N, HIDDEN), dtype=jnp.float32)
    batch_ngram_bucket_ids = jax.random.randint(ks[1], (N, SLOTS), 0, BUCKETS, dtype=jnp.int64)
    tables = jax.random.normal(ks[2], (SLOTS, BUCKETS, SLOT_DIM), dtype=jnp.float32) * 0.02
    Wk = jax.random.normal(ks[3], (HIDDEN, MEM), dtype=jnp.float32) * (1.0 / math.sqrt(MEM))
    Wv = jax.random.normal(ks[4], (HIDDEN, MEM), dtype=jnp.float32) * (1.0 / math.sqrt(MEM))
    qn_w = jnp.ones((HIDDEN,), dtype=jnp.float32)
    kn_w = jnp.ones((HIDDEN,), dtype=jnp.float32)
    vn_w = jnp.ones((HIDDEN,), dtype=jnp.float32)
    conv_w = jax.random.normal(ks[5], (HIDDEN, 1, 3), dtype=jnp.float32) * 0.1
    conv_b = jnp.zeros((HIDDEN,), dtype=jnp.float32)
    return {"hidden": hidden, "batch_ngram_bucket_ids": batch_ngram_bucket_ids,
            "tables": tables, "Wk": Wk, "Wv": Wv, "qn_w": qn_w, "kn_w": kn_w,
            "vn_w": vn_w, "conv_w": conv_w, "conv_b": conv_b}

def reference(hidden, batch_ngram_bucket_ids, tables, Wk, Wv, qn_w, kn_w, vn_w, conv_w, conv_b):
    # lookup: gather one slot per table and concatenate
    pieces = [jnp.take(tables[i], batch_ngram_bucket_ids[:, i], axis=0) for i in range(SLOTS)]
    memory = jnp.concatenate(pieces, axis=-1)  # [N, MEM]
    key = _rmsnorm(memory @ Wk.T, kn_w)
    value = _rmsnorm(memory @ Wv.T, vn_w)
    query = _rmsnorm(hidden, qn_w)
    gate_logits = jnp.sum(query * key, axis=-1, keepdims=True) / math.sqrt(HIDDEN)
    alpha = jax.nn.sigmoid(gate_logits)
    gated = alpha * value
    # depthwise Conv1d with kernel=3, padding=2 on a length-1 sequence, then keep
    # only position 0: output[0] = w[:,0,2] * x + b (other taps hit zero padding)
    conv_out = gated * conv_w[:, 0, 2] + conv_b
    fused = jax.nn.silu(conv_out) + gated
    return fused

if __name__ == "__main__":
    import jax
    _d = setup_inputs()
    print(jax.jit(kernel)(*tuple(_d.values())))

</pallas_src>

<mosaic_0001>
#map = affine_map<(d0, d1) -> (0, 0, 0)>
#map1 = affine_map<(d0, d1) -> (0, 0)>
module attributes {stable_mosaic.version = 14 : i64} {
  func.func @_sc_gather(%arg0: i32, %arg1: i32, %arg2: memref<8x100000x128xf32, #tpu.memory_space<hbm>>, %arg3: memref<8x16384xi32, #tpu.memory_space<hbm>>, %arg4: memref<8x16384x128xf32, #tpu.memory_space<hbm>>, %arg5: memref<8x512xi32, #tpu.memory_space<vmem>>, %arg6: memref<128x128xf32, #tpu.memory_space<vmem>>, %arg7: memref<!tpu.dma_semaphore, #tpu.memory_space<semaphore_mem>>) attributes {dimension_semantics = [#tpu.dimension_semantics<core_parallel>, #tpu.dimension_semantics<subcore_parallel>], iteration_bounds = array<i64: 2, 16>, scalar_prefetch = 0 : i64, scratch_operands = 3 : i64, tpu.core_type = #tpu.core_type<sc_vector_subcore>, window_params = [{transform_indices = #map}, {transform_indices = #map1}, {transform_indices = #map}]} {
    %mul3A = arith.constant 2 : i32
    %mul3A_0 = arith.muli %arg1, %mul3A : i32
    %add3A = arith.addi %mul3A_0, %arg0 : i32
    %mul3A_1 = arith.constant 512 : i32
    %mul3A_2 = arith.muli %add3A, %mul3A_1 : i32
    "tpu.region"() ({
      %run_scoped3A = tpu.sem_alloc : memref<!tpu.dma_semaphore, #tpu.memory_space<semaphore_mem>>
      %dma_start3A = arith.constant 0 : i32
      %dma_start3A_8 = tpu.memref_slice %arg3[%dma_start3A, %mul3A_2] : memref<8x16384xi32, #tpu.memory_space<hbm>> -> memref<8x512xi32, #tpu.memory_space<hbm>>
      %dma_start3A_9 = arith.constant 0 : i32
      %dma_start3A_10 = tpu.memref_slice %arg3[%dma_start3A_9, %mul3A_2] : memref<8x16384xi32, #tpu.memory_space<hbm>> -> memref<8x512xi32, #tpu.memory_space<hbm>>
      tpu.enqueue_dma source(%dma_start3A_10 : memref<8x512xi32, #tpu.memory_space<hbm>>) target(%arg5 : memref<8x512xi32, #tpu.memory_space<vmem>>) target_semaphore(%run_scoped3A : memref<!tpu.dma_semaphore, #tpu.memory_space<semaphore_mem>>)
      %dma_wait3A = arith.constant 0 : i32
      %dma_wait3A_11 = tpu.memref_slice %arg3[%dma_wait3A, %mul3A_2] : memref<8x16384xi32, #tpu.memory_space<hbm>> -> memref<8x512xi32, #tpu.memory_space<hbm>>
      %dma_wait3A_12 = arith.constant 0 : i32
      %dma_wait3A_13 = tpu.memref_slice %arg3[%dma_wait3A_12, %mul3A_2] : memref<8x16384xi32, #tpu.memory_space<hbm>> -> memref<8x512xi32, #tpu.memory_space<hbm>>
      tpu.wait_dma2 semaphore(%run_scoped3A : memref<!tpu.dma_semaphore, #tpu.memory_space<semaphore_mem>>) src(%dma_wait3A_13 : memref<8x512xi32, #tpu.memory_space<hbm>>) dst(%arg5 : memref<8x512xi32, #tpu.memory_space<vmem>>)
      tpu.yield
    }) : () -> ()
    %scan3A = arith.constant 0 : i32
    %scan3A_3 = arith.constant 0 : i32
    %scan3A_4 = arith.constant 32 : i32
    %scan3A_5 = arith.addi %scan3A_3, %scan3A_4 : i32
    %scan3A_6 = arith.constant 1 : i32
    scf.for %scan3A_8 = %scan3A_3 to %scan3A_5 step %scan3A_6  : i32 {
      %jit3A = arith.constant 4 : i32
      %div3A = arith.divsi %scan3A_8, %jit3A : i32
      %sign3A = arith.constant 0 : i32
      %sign3A_9 = arith.cmpi sgt, %scan3A_8, %sign3A : i32
      %sign3A_10 = arith.extui %sign3A_9 : i1 to i32
      %sign3A_11 = arith.constant 0 : i32
      %sign3A_12 = arith.cmpi slt, %scan3A_8, %sign3A_11 : i32
      %sign3A_13 = arith.extui %sign3A_12 : i1 to i32
      %sign3A_14 = arith.subi %sign3A_10, %sign3A_13 : i32
      %sign3A_15 = arith.constant 0 : i32
      %sign3A_16 = arith.cmpi sgt, %jit3A, %sign3A_15 : i32
      %sign3A_17 = arith.extui %sign3A_16 : i1 to i32
      %sign3A_18 = arith.constant 0 : i32
      %sign3A_19 = arith.cmpi slt, %jit3A, %sign3A_18 : i32
      %sign3A_20 = arith.extui %sign3A_19 : i1 to i32
      %sign3A_21 = arith.subi %sign3A_17, %sign3A_20 : i32
      %ne3A = arith.cmpi ne, %sign3A_14, %sign3A_21 : i32
      %rem3A = arith.remsi %scan3A_8, %jit3A : i32
      %ne3A_22 = arith.constant 0 : i32
      %ne3A_23 = arith.cmpi ne, %rem3A, %ne3A_22 : i32
      %and3A = arith.andi %ne3A, %ne3A_23 : i1
      %sub3A = arith.constant 1 : i32
      %sub3A_24 = arith.subi %div3A, %sub3A : i32
      %select_n3A = arith.select %and3A, %sub3A_24, %div3A : i32
      %jit3A_25 = arith.constant 4 : i32
      %eq3A = arith.constant 0 : i32
      %eq3A_26 = arith.cmpi eq, %jit3A_25, %eq3A : i32
      %jit3A_27 = arith.constant 1 : i32
      %select_n3A_28 = arith.select %eq3A_26, %jit3A_27, %jit3A_25 : i32
      %rem3A_29 = arith.remsi %scan3A_8, %select_n3A_28 : i32
      %ne3A_30 = arith.constant 0 : i32
      %ne3A_31 = arith.cmpi ne, %rem3A_29, %ne3A_30 : i32
      %lt3A = arith.constant 0 : i32
      %lt3A_32 = arith.cmpi slt, %rem3A_29, %lt3A : i32
      %lt3A_33 = arith.constant 0 : i32
      %lt3A_34 = arith.cmpi slt, %select_n3A_28, %lt3A_33 : i32
      %ne3A_35 = arith.xori %lt3A_32, %lt3A_34 : i1
      %and3A_36 = arith.andi %ne3A_35, %ne3A_31 : i1
      %add3A_37 = arith.addi %rem3A_29, %select_n3A_28 : i32
      %select_n3A_38 = arith.select %and3A_36, %add3A_37, %rem3A_29 : i32
      %mul3A_39 = arith.constant 128 : i32
      %mul3A_40 = arith.muli %select_n3A_38, %mul3A_39 : i32
      %dma_start3A = tpu.memref_slice %arg5[%select_n3A, %mul3A_40] : memref<8x512xi32, #tpu.memory_space<vmem>> -> memref<1x128xi32, #tpu.memory_space<vmem>>
      %dma_start3A_41 = tpu.memref_squeeze %dma_start3A : memref<1x128xi32, #tpu.memory_space<vmem>> -> memref<128xi32, #tpu.memory_space<vmem>>
      %dma_start3A_42 = arith.constant 0 : i32
      %dma_start3A_43 = arith.constant 0 : i32
      %dma_start3A_44 = tpu.memref_slice %arg2[%select_n3A, %dma_start3A_42, %dma_start3A_43] : memref<8x100000x128xf32, #tpu.memory_space<hbm>> -> memref<1x100000x128xf32, #tpu.memory_space<hbm>>
      %dma_start3A_45 = tpu.memref_squeeze %dma_start3A_44 : memref<1x100000x128xf32, #tpu.memory_space<hbm>> -> memref<100000x128xf32, #tpu.memory_space<hbm>>
      %dma_start3A_46 = arith.constant 0 : i32
      %dma_start3A_47 = arith.constant 0 : i32
      %dma_start3A_48 = tpu.memref_slice %dma_start3A_45[%dma_start3A_46, %dma_start3A_47] : memref<100000x128xf32, #tpu.memory_space<hbm>> -> memref<100000x128xf32, #tpu.memory_space<hbm>>
      tpu.enqueue_indirect_dma source(%dma_start3A_48 : memref<100000x128xf32, #tpu.memory_space<hbm>>) target(%arg6 : memref<128x128xf32, #tpu.memory_space<vmem>>) offsets(%dma_start3A_41 : memref<128xi32, #tpu.memory_space<vmem>>) semaphore(%arg7 : memref<!tpu.dma_semaphore, #tpu.memory_space<semaphore_mem>>)
      %dma_wait3A = tpu.memref_slice %arg5[%select_n3A, %mul3A_40] : memref<8x512xi32, #tpu.memory_space<vmem>> -> memref<1x128xi32, #tpu.memory_space<vmem>>
      %dma_wait3A_49 = tpu.memref_squeeze %dma_wait3A : memref<1x128xi32, #tpu.memory_space<vmem>> -> memref<128xi32, #tpu.memory_space<vmem>>
      %dma_wait3A_50 = arith.constant 0 : i32
      %dma_wait3A_51 = arith.constant 0 : i32
      %dma_wait3A_52 = tpu.memref_slice %arg2[%select_n3A, %dma_wait3A_50, %dma_wait3A_51] : memref<8x100000x128xf32, #tpu.memory_space<hbm>> -> memref<1x100000x128xf32, #tpu.memory_space<hbm>>
      %dma_wait3A_53 = tpu.memref_squeeze %dma_wait3A_52 : memref<1x100000x128xf32, #tpu.memory_space<hbm>> -> memref<100000x128xf32, #tpu.memory_space<hbm>>
      %dma_wait3A_54 = arith.constant 0 : i32
      %dma_wait3A_55 = arith.constant 0 : i32
      %dma_wait3A_56 = tpu.memref_slice %dma_wait3A_53[%dma_wait3A_54, %dma_wait3A_55] : memref<100000x128xf32, #tpu.memory_space<hbm>> -> memref<100000x128xf32, #tpu.memory_space<hbm>>
      tpu.wait_indirect_dma semaphore(%arg7 : memref<!tpu.dma_semaphore, #tpu.memory_space<semaphore_mem>>) src(%dma_wait3A_56 : memref<100000x128xf32, #tpu.memory_space<hbm>>) dst(%arg6 : memref<128x128xf32, #tpu.memory_space<vmem>>)
      %mul3A_57 = arith.constant 128 : i32
      %mul3A_58 = arith.muli %select_n3A_38, %mul3A_57 : i32
      %add3A_59 = arith.addi %mul3A_2, %mul3A_58 : i32
      "tpu.region"() ({
        %run_scoped3A = tpu.sem_alloc : memref<!tpu.dma_semaphore, #tpu.memory_space<semaphore_mem>>
        %dma_start3A_60 = arith.constant 0 : i32
        %dma_start3A_61 = tpu.memref_slice %arg4[%select_n3A, %add3A_59, %dma_start3A_60] : memref<8x16384x128xf32, #tpu.memory_space<hbm>> -> memref<1x128x128xf32, #tpu.memory_space<hbm>>
        %dma_start3A_62 = tpu.memref_squeeze %dma_start3A_61 : memref<1x128x128xf32, #tpu.memory_space<hbm>> -> memref<128x128xf32, #tpu.memory_space<hbm>>
        %dma_start3A_63 = arith.constant 0 : i32
        %dma_start3A_64 = tpu.memref_slice %arg4[%select_n3A, %add3A_59, %dma_start3A_63] : memref<8x16384x128xf32, #tpu.memory_space<hbm>> -> memref<1x128x128xf32, #tpu.memory_space<hbm>>
        %dma_start3A_65 = tpu.memref_squeeze %dma_start3A_64 : memref<1x128x128xf32, #tpu.memory_space<hbm>> -> memref<128x128xf32, #tpu.memory_space<hbm>>
        tpu.enqueue_dma source(%arg6 : memref<128x128xf32, #tpu.memory_space<vmem>>) target(%dma_start3A_65 : memref<128x128xf32, #tpu.memory_space<hbm>>) target_semaphore(%run_scoped3A : memref<!tpu.dma_semaphore, #tpu.memory_space<semaphore_mem>>)
        %dma_wait3A_66 = arith.constant 0 : i32
        %dma_wait3A_67 = tpu.memref_slice %arg4[%select_n3A, %add3A_59, %dma_wait3A_66] : memref<8x16384x128xf32, #tpu.memory_space<hbm>> -> memref<1x128x128xf32, #tpu.memory_space<hbm>>
        %dma_wait3A_68 = tpu.memref_squeeze %dma_wait3A_67 : memref<1x128x128xf32, #tpu.memory_space<hbm>> -> memref<128x128xf32, #tpu.memory_space<hbm>>
        %dma_wait3A_69 = arith.constant 0 : i32
        %dma_wait3A_70 = tpu.memref_slice %arg4[%select_n3A, %add3A_59, %dma_wait3A_69] : memref<8x16384x128xf32, #tpu.memory_space<hbm>> -> memref<1x128x128xf32, #tpu.memory_space<hbm>>
        %dma_wait3A_71 = tpu.memref_squeeze %dma_wait3A_70 : memref<1x128x128xf32, #tpu.memory_space<hbm>> -> memref<128x128xf32, #tpu.memory_space<hbm>>
        tpu.wait_dma2 semaphore(%run_scoped3A : memref<!tpu.dma_semaphore, #tpu.memory_space<semaphore_mem>>) src(%arg6 : memref<128x128xf32, #tpu.memory_space<vmem>>) dst(%dma_wait3A_71 : memref<128x128xf32, #tpu.memory_space<hbm>>)
        tpu.yield
      }) : () -> ()
    }
    %scan3A_7 = arith.constant 32 : i32
    return
  }
}

module attributes {stable_mosaic.version = 14 : i64} {
  func.func @_dense_body(%arg0: i32, %arg1: memref<1024x1024xf32, #tpu.memory_space<vmem>>, %arg2: memref<8x1024x128xf32, #tpu.memory_space<vmem>>, %arg3: memref<512x1024xf32, #tpu.memory_space<vmem>>, %arg4: memref<512x1024xf32, #tpu.memory_space<vmem>>, %arg5: memref<1x1024xf32, #tpu.memory_space<vmem>>, %arg6: memref<1x1024xf32, #tpu.memory_space<vmem>>, %arg7: memref<1x1024xf32, #tpu.memory_space<vmem>>, %arg8: memref<1x1024xf32, #tpu.memory_space<vmem>>, %arg9: memref<1x1024xf32, #tpu.memory_space<vmem>>, %arg10: memref<1024x1024xf32, #tpu.memory_space<vmem>>) attributes {dimension_semantics = [#tpu.dimension_semantics<arbitrary>], iteration_bounds = array<i64: 16>, scalar_prefetch = 0 : i64, scratch_operands = 0 : i64, tpu.core_type = #tpu.core_type<tc>, window_params = [{transform_indices = @transform_0, window_bounds = array<i64: 1024, 1024>}, {transform_indices = @transform_1, window_bounds = array<i64: 8, 1024, 128>}, {pipeline_mode = #tpu.pipeline_mode<synchronous>, transform_indices = @transform_2, window_bounds = array<i64: 512, 1024>}, {pipeline_mode = #tpu.pipeline_mode<synchronous>, transform_indices = @transform_3, window_bounds = array<i64: 512, 1024>}, {pipeline_mode = #tpu.pipeline_mode<synchronous>, transform_indices = @transform_4, window_bounds = array<i64: 1, 1024>}, {pipeline_mode = #tpu.pipeline_mode<synchronous>, transform_indices = @transform_5, window_bounds = array<i64: 1, 1024>}, {pipeline_mode = #tpu.pipeline_mode<synchronous>, transform_indices = @transform_6, window_bounds = array<i64: 1, 1024>}, {pipeline_mode = #tpu.pipeline_mode<synchronous>, transform_indices = @transform_7, window_bounds = array<i64: 1, 1024>}, {pipeline_mode = #tpu.pipeline_mode<synchronous>, transform_indices = @transform_8, window_bounds = array<i64: 1, 1024>}, {transform_indices = @transform_9, window_bounds = array<i64: 1024, 1024>}]} {
    %get3A = arith.constant 0 : index
    %get3A_0 = arith.constant 0 : index
    %get3A_1 = vector.load %arg1[%get3A, %get3A_0] : memref<1024x1024xf32, #tpu.memory_space<vmem>>, vector<1024x1024xf32>
    %mul3A = arith.mulf %get3A_1, %get3A_1 : vector<1024x1024xf32>
    %reduce_sum3A = arith.constant dense<0.000000e+00> : vector<1024xf32>
    %reduce_sum3A_2 = vector.multi_reduction <add>, %mul3A, %reduce_sum3A [1] : vector<1024x1024xf32> to vector<1024xf32>
    %broadcast_in_dim3A = vector.shape_cast %reduce_sum3A_2 : vector<1024xf32> to vector<1024x1xf32>
    %div3A = arith.constant 1.024000e+03 : f32
    %div3A_3 = vector.broadcast %div3A : f32 to vector<1024x1xf32>
    %div3A_4 = arith.divf %broadcast_in_dim3A, %div3A_3 : vector<1024x1xf32>
    %add3A = arith.constant 9.99999993E-9 : f32
    %add3A_5 = vector.broadcast %add3A : f32 to vector<1024x1xf32>
    %add3A_6 = arith.addf %div3A_4, %add3A_5 : vector<1024x1xf32>
    %rsqrt3A = math.rsqrt %add3A_6 : vector<1024x1xf32>
    %mul3A_7 = vector.broadcast %rsqrt3A : vector<1024x1xf32> to vector<1024x1024xf32>
    %mul3A_8 = arith.mulf %get3A_1, %mul3A_7 : vector<1024x1024xf32>
    %get3A_9 = arith.constant 0 : index
    %get3A_10 = arith.constant 0 : index
    %get3A_11 = vector.load %arg5[%get3A_9, %get3A_10] : memref<1x1024xf32, #tpu.memory_space<vmem>>, vector<1x1024xf32>
    %mul3A_12 = vector.broadcast %get3A_11 : vector<1x1024xf32> to vector<1024x1024xf32>
    %mul3A_13 = arith.mulf %mul3A_8, %mul3A_12 : vector<1024x1024xf32>
    %get3A_14 = arith.constant 0 : index
    %get3A_15 = arith.constant 0 : index
    %get3A_16 = arith.constant 0 : index
    %get3A_17 = vector.load %arg2[%get3A_14, %get3A_15, %get3A_16] : memref<8x1024x128xf32, #tpu.memory_space<vmem>>, vector<8x1024x128xf32>
    %slice3A = vector.extract_strided_slice %get3A_17 {offsets = [0, 0, 0], sizes = [1, 1024, 64], strides = [1, 1, 1]} : vector<8x1024x128xf32> to vector<1x1024x64xf32>
    %squeeze3A = vector.shape_cast %slice3A : vector<1x1024x64xf32> to vector<1024x64xf32>
    %slice3A_18 = vector.extract_strided_slice %get3A_17 {offsets = [1, 0, 0], sizes = [1, 1024, 64], strides = [1, 1, 1]} : vector<8x1024x128xf32> to vector<1x1024x64xf32>
    %squeeze3A_19 = vector.shape_cast %slice3A_18 : vector<1x1024x64xf32> to vector<1024x64xf32>
    %slice3A_20 = vector.extract_strided_slice %get3A_17 {offsets = [2, 0, 0], sizes = [1, 1024, 64], strides = [1, 1, 1]} : vector<8x1024x128xf32> to vector<1x1024x64xf32>
    %squeeze3A_21 = vector.shape_cast %slice3A_20 : vector<1x1024x64xf32> to vector<1024x64xf32>
    %slice3A_22 = vector.extract_strided_slice %get3A_17 {offsets = [3, 0, 0], sizes = [1, 1024, 64], strides = [1, 1, 1]} : vector<8x1024x128xf32> to vector<1x1024x64xf32>
    %squeeze3A_23 = vector.shape_cast %slice3A_22 : vector<1x1024x64xf32> to vector<1024x64xf32>
    %slice3A_24 = vector.extract_strided_slice %get3A_17 {offsets = [4, 0, 0], sizes = [1, 1024, 64], strides = [1, 1, 1]} : vector<8x1024x128xf32> to vector<1x1024x64xf32>
    %squeeze3A_25 = vector.shape_cast %slice3A_24 : vector<1x1024x64xf32> to vector<1024x64xf32>
    %slice3A_26 = vector.extract_strided_slice %get3A_17 {offsets = [5, 0, 0], sizes = [1, 1024, 64], strides = [1, 1, 1]} : vector<8x1024x128xf32> to vector<1x1024x64xf32>
    %squeeze3A_27 = vector.shape_cast %slice3A_26 : vector<1x1024x64xf32> to vector<1024x64xf32>
    %slice3A_28 = vector.extract_strided_slice %get3A_17 {offsets = [6, 0, 0], sizes = [1, 1024, 64], strides = [1, 1, 1]} : vector<8x1024x128xf32> to vector<1x1024x64xf32>
    %squeeze3A_29 = vector.shape_cast %slice3A_28 : vector<1x1024x64xf32> to vector<1024x64xf32>
    %slice3A_30 = vector.extract_strided_slice %get3A_17 {offsets = [7, 0, 0], sizes = [1, 1024, 64], strides = [1, 1, 1]} : vector<8x1024x128xf32> to vector<1x1024x64xf32>
    %squeeze3A_31 = vector.shape_cast %slice3A_30 : vector<1x1024x64xf32> to vector<1024x64xf32>
    %concatenate3A = tpu.concatenate %squeeze3A, %squeeze3A_19, %squeeze3A_21, %squeeze3A_23, %squeeze3A_25, %squeeze3A_27, %squeeze3A_29, %squeeze3A_31 in 1 : vector<1024x64xf32>, vector<1024x64xf32>, vector<1024x64xf32>, vector<1024x64xf32>, vector<1024x64xf32>, vector<1024x64xf32>, vector<1024x64xf32>, vector<1024x64xf32> -> vector<1024x512xf32>
    %convert_element_type3A = arith.truncf %concatenate3A : vector<1024x512xf32> to vector<1024x512xbf16>
    %get3A_32 = arith.constant 0 : index
    %get3A_33 = arith.constant 0 : index
    %get3A_34 = vector.load %arg3[%get3A_32, %get3A_33] : memref<512x1024xf32, #tpu.memory_space<vmem>>, vector<512x1024xf32>
    %convert_element_type3A_35 = arith.truncf %get3A_34 : vector<512x1024xf32> to vector<512x1024xbf16>
    %dot_general3A = arith.constant dense<0.000000e+00> : vector<1024x1024xf32>
    %dot_general3A_36 = tpu.matmul %convert_element_type3A, %convert_element_type3A_35, %dot_general3A {dimension_numbers = #tpu.dot_dimension_numbers<[1], [0], [0], [1], [0, 0, 1, 1], [], []>, transpose_lhs_hint = false} : vector<1024x512xbf16>, vector<512x1024xbf16>, vector<1024x1024xf32> -> vector<1024x1024xf32>
    %mul3A_37 = arith.mulf %dot_general3A_36, %dot_general3A_36 : vector<1024x1024xf32>
    %reduce_sum3A_38 = arith.constant dense<0.000000e+00> : vector<1024xf32>
    %reduce_sum3A_39 = vector.multi_reduction <add>, %mul3A_37, %reduce_sum3A_38 [1] : vector<1024x1024xf32> to vector<1024xf32>
    %broadcast_in_dim3A_40 = vector.shape_cast %reduce_sum3A_39 : vector<1024xf32> to vector<1024x1xf32>
    %div3A_41 = arith.constant 1.024000e+03 : f32
    %div3A_42 = vector.broadcast %div3A_41 : f32 to vector<1024x1xf32>
    %div3A_43 = arith.divf %broadcast_in_dim3A_40, %div3A_42 : vector<1024x1xf32>
    %add3A_44 = arith.constant 9.99999993E-9 : f32
    %add3A_45 = vector.broadcast %add3A_44 : f32 to vector<1024x1xf32>
    %add3A_46 = arith.addf %div3A_43, %add3A_45 : vector<1024x1xf32>
    %rsqrt3A_47 = math.rsqrt %add3A_46 : vector<1024x1xf32>
    %mul3A_48 = vector.broadcast %rsqrt3A_47 : vector<1024x1xf32> to vector<1024x1024xf32>
    %mul3A_49 = arith.mulf %dot_general3A_36, %mul3A_48 : vector<1024x1024xf32>
    %get3A_50 = arith.constant 0 : index
    %get3A_51 = arith.constant 0 : index
    %get3A_52 = vector.load %arg6[%get3A_50, %get3A_51] : memref<1x1024xf32, #tpu.memory_space<vmem>>, vector<1x1024xf32>
    %mul3A_53 = vector.broadcast %get3A_52 : vector<1x1024xf32> to vector<1024x1024xf32>
    %mul3A_54 = arith.mulf %mul3A_49, %mul3A_53 : vector<1024x1024xf32>
    %get3A_55 = arith.constant 0 : index
    %get3A_56 = arith.constant 0 : index
    %get3A_57 = vector.load %arg4[%get3A_55, %get3A_56] : memref<512x1024xf32, #tpu.memory_space<vmem>>, vector<512x1024xf32>
    %convert_element_type3A_58 = arith.truncf %get3A_57 : vector<512x1024xf32> to vector<512x1024xbf16>
    %dot_general3A_59 = arith.constant dense<0.000000e+00> : vector<1024x1024xf32>
    %dot_general3A_60 = tpu.matmul %convert_element_type3A, %convert_element_type3A_58, %dot_general3A_59 {dimension_numbers = #tpu.dot_dimension_numbers<[1], [0], [0], [1], [0, 0, 1, 1], [], []>, transpose_lhs_hint = false} : vector<1024x512xbf16>, vector<512x1024xbf16>, vector<1024x1024xf32> -> vector<1024x1024xf32>
    %mul3A_61 = arith.mulf %dot_general3A_60, %dot_general3A_60 : vector<1024x1024xf32>
    %reduce_sum3A_62 = arith.constant dense<0.000000e+00> : vector<1024xf32>
    %reduce_sum3A_63 = vector.multi_reduction <add>, %mul3A_61, %reduce_sum3A_62 [1] : vector<1024x1024xf32> to vector<1024xf32>
    %broadcast_in_dim3A_64 = vector.shape_cast %reduce_sum3A_63 : vector<1024xf32> to vector<1024x1xf32>
    %div3A_65 = arith.constant 1.024000e+03 : f32
    %div3A_66 = vector.broadcast %div3A_65 : f32 to vector<1024x1xf32>
    %div3A_67 = arith.divf %broadcast_in_dim3A_64, %div3A_66 : vector<1024x1xf32>
    %add3A_68 = arith.constant 9.99999993E-9 : f32
    %add3A_69 = vector.broadcast %add3A_68 : f32 to vector<1024x1xf32>
    %add3A_70 = arith.addf %div3A_67, %add3A_69 : vector<1024x1xf32>
    %rsqrt3A_71 = math.rsqrt %add3A_70 : vector<1024x1xf32>
    %mul3A_72 = vector.broadcast %rsqrt3A_71 : vector<1024x1xf32> to vector<1024x1024xf32>
    %mul3A_73 = arith.mulf %dot_general3A_60, %mul3A_72 : vector<1024x1024xf32>
    %get3A_74 = arith.constant 0 : index
    %get3A_75 = arith.constant 0 : index
    %get3A_76 = vector.load %arg7[%get3A_74, %get3A_75] : memref<1x1024xf32, #tpu.memory_space<vmem>>, vector<1x1024xf32>
    %mul3A_77 = vector.broadcast %get3A_76 : vector<1x1024xf32> to vector<1024x1024xf32>
    %mul3A_78 = arith.mulf %mul3A_73, %mul3A_77 : vector<1024x1024xf32>
    %mul3A_79 = arith.mulf %mul3A_13, %mul3A_54 : vector<1024x1024xf32>
    %reduce_sum3A_80 = arith.constant dense<0.000000e+00> : vector<1024xf32>
    %reduce_sum3A_81 = vector.multi_reduction <add>, %mul3A_79, %reduce_sum3A_80 [1] : vector<1024x1024xf32> to vector<1024xf32>
    %broadcast_in_dim3A_82 = vector.shape_cast %reduce_sum3A_81 : vector<1024xf32> to vector<1024x1xf32>
    %mul3A_83 = arith.constant 3.125000e-02 : f32
    %mul3A_84 = vector.broadcast %mul3A_83 : f32 to vector<1024x1xf32>
    %mul3A_85 = arith.mulf %broadcast_in_dim3A_82, %mul3A_84 : vector<1024x1xf32>
    %logistic3A = arith.negf %mul3A_85 : vector<1024x1xf32>
    %logistic3A_86 = math.exp %logistic3A : vector<1024x1xf32>
    %logistic3A_87 = arith.constant 1.000000e+00 : f32
    %logistic3A_88 = vector.broadcast %logistic3A_87 : f32 to vector<1024x1xf32>
    %logistic3A_89 = arith.addf %logistic3A_88, %logistic3A_86 : vector<1024x1xf32>
    %logistic3A_90 = arith.divf %logistic3A_88, %logistic3A_89 : vector<1024x1xf32>
    %mul3A_91 = vector.broadcast %logistic3A_90 : vector<1024x1xf32> to vector<1024x1024xf32>
    %mul3A_92 = arith.mulf %mul3A_91, %mul3A_78 : vector<1024x1024xf32>
    %get3A_93 = arith.constant 0 : index
    %get3A_94 = arith.constant 0 : index
    %get3A_95 = vector.load %arg8[%get3A_93, %get3A_94] : memref<1x1024xf32, #tpu.memory_space<vmem>>, vector<1x1024xf32>
    %mul3A_96 = vector.broadcast %get3A_95 : vector<1x1024xf32> to vector<1024x1024xf32>
    %mul3A_97 = arith.mulf %mul3A_92, %mul3A_96 : vector<1024x1024xf32>
    %get3A_98 = arith.constant 0 : index
    %get3A_99 = arith.constant 0 : index
    %get3A_100 = vector.load %arg9[%get3A_98, %get3A_99] : memref<1x1024xf32, #tpu.memory_space<vmem>>, vector<1x1024xf32>
    %add3A_101 = vector.broadcast %get3A_100 : vector<1x1024xf32> to vector<1024x1024xf32>
    %add3A_102 = arith.addf %mul3A_97, %add3A_101 : vector<1024x1024xf32>
    %logistic3A_103 = arith.negf %add3A_102 : vector<1024x1024xf32>
    %logistic3A_104 = math.exp %logistic3A_103 : vector<1024x1024xf32>
    %logistic3A_105 = arith.constant 1.000000e+00 : f32
    %logistic3A_106 = vector.broadcast %logistic3A_105 : f32 to vector<1024x1024xf32>
    %logistic3A_107 = arith.addf %logistic3A_106, %logistic3A_104 : vector<1024x1024xf32>
    %logistic3A_108 = arith.divf %logistic3A_106, %logistic3A_107 : vector<1024x1024xf32>
    %mul3A_109 = arith.mulf %add3A_102, %logistic3A_108 : vector<1024x1024xf32>
    %add3A_110 = arith.addf %mul3A_109, %mul3A_92 : vector<1024x1024xf32>
    %swap3A = arith.constant 0 : index
    %swap3A_111 = arith.constant 0 : index
    %swap3A_112 = vector.load %arg10[%swap3A, %swap3A_111] : memref<1024x1024xf32, #tpu.memory_space<vmem>>, vector<1024x1024xf32>
    tpu.vector_store %arg10[%swap3A, %swap3A_111], %add3A_110 {strides = array<i32>} : memref<1024x1024xf32, #tpu.memory_space<vmem>>, vector<1024x1024xf32>,
    return
  }
  func.func @transform_0(%arg0: i32) -> (i32, i32) {
    %c0_i32 = arith.constant 0 : i32
    %c0_i32_0 = arith.constant 0 : i32
    return %arg0, %c0_i32 : i32, i32
  }
  func.func @transform_1(%arg0: i32) -> (i32, i32, i32) {
    %c0_i32 = arith.constant 0 : i32
    %c0_i32_0 = arith.constant 0 : i32
    %c0_i32_1 = arith.constant 0 : i32
    return %c0_i32, %arg0, %c0_i32_0 : i32, i32, i32
  }
  func.func @transform_2(%arg0: i32) -> (i32, i32) {
    %c0_i32 = arith.constant 0 : i32
    %c0_i32_0 = arith.constant 0 : i32
    %c0_i32_1 = arith.constant 0 : i32
    return %c0_i32, %c0_i32_0 : i32, i32
  }
  func.func @transform_3(%arg0: i32) -> (i32, i32) {
    %c0_i32 = arith.constant 0 : i32
    %c0_i32_0 = arith.constant 0 : i32
    %c0_i32_1 = arith.constant 0 : i32
    return %c0_i32, %c0_i32_0 : i32, i32
  }
  func.func @transform_4(%arg0: i32) -> (i32, i32) {
    %c0_i32 = arith.constant 0 : i32
    %c0_i32_0 = arith.constant 0 : i32
    %c0_i32_1 = arith.constant 0 : i32
    return %c0_i32, %c0_i32_0 : i32, i32
  }
  func.func @transform_5(%arg0: i32) -> (i32, i32) {
    %c0_i32 = arith.constant 0 : i32
    %c0_i32_0 = arith.constant 0 : i32
    %c0_i32_1 = arith.constant 0 : i32
    return %c0_i32, %c0_i32_0 : i32, i32
  }
  func.func @transform_6(%arg0: i32) -> (i32, i32) {
    %c0_i32 = arith.constant 0 : i32
    %c0_i32_0 = arith.constant 0 : i32
    %c0_i32_1 = arith.constant 0 : i32
    return %c0_i32, %c0_i32_0 : i32, i32
  }
  func.func @transform_7(%arg0: i32) -> (i32, i32) {
    %c0_i32 = arith.constant 0 : i32
    %c0_i32_0 = arith.constant 0 : i32
    %c0_i32_1 = arith.constant 0 : i32
    return %c0_i32, %c0_i32_0 : i32, i32
  }
  func.func @transform_8(%arg0: i32) -> (i32, i32) {
    %c0_i32 = arith.constant 0 : i32
    %c0_i32_0 = arith.constant 0 : i32
    %c0_i32_1 = arith.constant 0 : i32
    return %c0_i32, %c0_i32_0 : i32, i32
  }
  func.func @transform_9(%arg0: i32) -> (i32, i32) {
    %c0_i32 = arith.constant 0 : i32
    %c0_i32_0 = arith.constant 0 : i32
    return %arg0, %c0_i32 : i32, i32
  }
}

</mosaic_0001>

<sc_bundles>
// kernel: kernel.4.cloned.1.call-start
scs
__scs_entry_jumppad:
0x0: {  	(pc) =	sbr.rel $0x88, $3  }
0x1: {  	(tag) =	ssettag $0x0;
	lr =	simm.s32 $0x1  }
0x2: {  	[smem:$0x3F97] =	sst lr;
	_ =	strace $0xD0000000  }
0x3: {  	_ = 	snop  }
0x4: {  	_ = 	snop  }
0x5: {  	_ = 	snop  }
0x6: {  	_ = 	snop  }
0x7: {  	_ = 	snop  }
__scs_overlays_trampoline_lowered:
0x8: {  	[smem:$0x3FA6] =	sst s0  }
0x9: {  	[smem:$0x3FA7] =	sst s1  }
0xa: {  	[smem:$0x3FA8] =	sst s2  }
0xb: {  	[smem:$0x3FA9] =	sst s3  }
0xc: {  	[smem:$0x3FAA] =	sst s4  }
0xd: {  	[smem:$0x3FAB] =	sst s5  }
0xe: {  	[smem:$0x3FAC] =	sst s6  }
0xf: {  	[smem:$0x3FAD] =	sst s7  }
0x10: {  	[smem:$0x3FAE] =	sst s8  }
0x11: {  	[smem:$0x3FAF] =	sst s9;
	s0 =	simm.s32 @!p0 $0x0  }
0x12: {  	s1 =	sld [smem:$0x3F95];
	s0 =	simm.s32 @p0 $0x1  }
0x13: {  	[smem:$0x3FB0] =	sst s0;
	s0 =	simm.s32 @!p1 $0x0  }
0x14: {  	s2 =	sld [smem:$0x3F94];
	s0 =	simm.s32 @p1 $0x1  }
0x15: {  	[smem:$0x3FB1] =	sst s0;
	s0 =	simm.s32 @!p2 $0x0  }
0x16: {  	s3 =	sld [smem:$0x3FDB];
	s0 =	simm.s32 @p2 $0x1  }
0x17: {  	s4 =	simm.s32 $0x1BF5;
	[smem:$0x3FB3] =	sst s0  }
0x18: {  	s0 =	sld [smem:$0x3F96];
	_ =	swait.ge [sflag:s4], $0x0  }
0x19: {  	s7 =	sld [smem:$0x3F97]  }
0x1a: {  	s8 =	sadd.s32 $0xFFFFE003, lr  }
0x1b: {  	s9 =	sadd.s32 $0xFFFFFEF7, lr;
	s5 =	simm.s32 $0xFFFFFFFF;
	p2 =	slt.u32 s8, $0xFFFFF086  }
0x1c: {  	p1 =	slt.u32 s9, $0xF7A;
	s5 =	simm.s32 @!p2 $0x0  }
0x1d: {  	s5 =	simm.s32 @p1 $0x1;
	p0 =	seq.s32 s7, s2  }
0x1e: {  	s7 =	smul.u32 @!p0 $0xF7A, s2;
	p2 =	seq.s32 @!p0 s5, $0x0  }
0x1f: {  	s9 =	smul.u32 $0xF7A, s1;
	s8 =	simm.s32 @!p0 $0x1BF5;
	p2 =	por !p2, p0  }
0x20: {  	[sflag:s8] =	ssyncset.s32 @!p0 $0xFFFFF086;
	s6 =	sadd.s32 @!p0 s3, s7;
	s7 =	simm.s32 @!p0 $0x108  }
0x21: {  	s3 =	sadd.s32 s3, s9;
	s6 =	sadd.s32 @!p0 $0x88, s6;
	s7 =	simm.s32 @p2 $0x1082  }
0x22: {  	[simem:s7], [sflag:s8] =	dma.local @!p0 [hbm:s6], $0xF7A  }
0x23: {  	s9 =	sor.u32 $0xD0000000, s2;
	s6 =	simm.s32 $0x108;
	_ =	swait.ge @!p0 [sflag:s8], $0x0  }
0x24: {  	s3 =	sadd.s32 $0x88, s3;
	s6 =	simm.s32 @!p1 $0x1082;
	[sflag:s4] =	ssyncset.s32 $0xFFFFF086  }
0x25: {  	[simem:s6], [sflag:s4] =	dma.local [hbm:s3], $0xF7A  }
0x26: {  	[smem:$0x3F97] =	sst s1;
	(tag) =	ssettag s2;
	_ =	strace s9  }
0x27: {  	s1 =	sld [smem:$0x3FA7]  }
0x28: {  	s2 =	sld [smem:$0x3FA8]  }
0x29: {  	s4 =	sld [smem:$0x3FAA]  }
0x2a: {  	p0 =	seq.s32 s5, $0x0;
	s5 =	sld [smem:$0x3FAB]  }
0x2b: {  	s6 =	sld [smem:$0x3FAC]  }
0x2c: {  	s7 =	sld [smem:$0x3FAD]  }
0x2d: {  	s3 =	simm.s32 $0x108;
	s8 =	sld [smem:$0x3FAE]  }
0x2e: {  	s3 =	simm.s32 @!p0 $0x1082;
	s9 =	sld [smem:$0x3FAF]  }
0x2f: {  	lr =	sadd.s32 s0, s3;
	s0 =	sld [smem:$0x3FA6]  }
0x30: {  	s3 =	sld [smem:$0x3FA9]  }
0x31: {  	[smem:$0x3FB2] =	sst s10  }
0x32: {  	s10 =	sld [smem:$0x3FB0];
	_ =	sdelay $0x3  }
0x33: {  	p0 =	seq.s32 s10, $0x1;
	s10 =	sld [smem:$0x3FB2];
	_ =	sdelay $0x3  }
0x34: {  	[smem:$0x3FB2] =	sst s10  }
0x35: {  	s10 =	sld [smem:$0x3FB1];
	_ =	sdelay $0x3  }
0x36: {  	p1 =	seq.s32 s10, $0x1;
	s10 =	sld [smem:$0x3FB2];
	_ =	sdelay $0x3  }
0x37: {  	[smem:$0x3FB2] =	sst s10  }
0x38: {  	s10 =	sld [smem:$0x3FB3]  }
0x39: {  	_ = 	snop;
	(pc) =	sbr.ind lr, $3  }
0x3a: {  	_ = 	snop  }
0x3b: {  	_ = 	snop  }
0x3c: {  	p2 =	seq.s32 s10, $0x1;
	s10 =	sld [smem:$0x3FB2]  }
0x3d: {  	_ =	shalt  }
0x3e: {  	_ =	shalt  }
0x3f: {  	_ =	shalt  }
0x40: {  	_ =	shalt  }
0x41: {  	_ =	shalt  }
0x42: {  	_ =	shalt  }
0x43: {  	_ =	shalt  }
0x44: {  	_ =	shalt  }
0x45: {  	_ =	shalt  }
0x46: {  	_ =	shalt  }
0x47: {  	_ =	shalt  }
0x48: {  	_ =	shalt  }
0x49: {  	_ =	shalt  }
0x4a: {  	_ =	shalt  }
0x4b: {  	_ =	shalt  }
0x4c: {  	_ =	shalt  }
0x4d: {  	_ =	shalt  }
0x4e: {  	_ =	shalt  }
0x4f: {  	_ =	shalt  }
0x50: {  	_ =	shalt  }
0x51: {  	_ =	shalt  }
0x52: {  	_ =	shalt  }
0x53: {  	_ =	shalt  }
0x54: {  	_ =	shalt  }
0x55: {  	_ =	shalt  }
0x56: {  	_ =	shalt  }
0x57: {  	_ =	shalt  }
0x58: {  	_ =	shalt  }
0x59: {  	_ =	shalt  }
0x5a: {  	_ =	shalt  }
0x5b: {  	_ =	shalt  }
0x5c: {  	_ =	shalt  }
0x5d: {  	_ =	shalt  }
0x5e: {  	_ =	shalt  }
0x5f: {  	_ =	shalt  }
0x60: {  	_ =	shalt  }
0x61: {  	_ =	shalt  }
0x62: {  	_ =	shalt  }
0x63: {  	_ =	shalt  }
0x64: {  	_ =	shalt  }
0x65: {  	_ =	shalt  }
0x66: {  	_ =	shalt  }
0x67: {  	_ =	shalt  }
0x68: {  	_ =	shalt  }
0x69: {  	_ =	shalt  }
0x6a: {  	_ =	shalt  }
0x6b: {  	_ =	shalt  }
0x6c: {  	_ =	shalt  }
0x6d: {  	_ =	shalt  }
0x6e: {  	_ =	shalt  }
0x6f: {  	_ =	shalt  }
0x70: {  	_ =	shalt  }
0x71: {  	_ =	shalt  }
0x72: {  	_ =	shalt  }
0x73: {  	_ =	shalt  }
0x74: {  	_ =	shalt  }
0x75: {  	_ =	shalt  }
0x76: {  	_ =	shalt  }
0x77: {  	_ =	shalt  }
0x78: {  	_ =	shalt  }
0x79: {  	_ =	shalt  }
0x7a: {  	_ =	shalt  }
0x7b: {  	_ =	shalt  }
0x7c: {  	_ =	shalt  }
0x7d: {  	_ =	shalt  }
0x7e: {  	_ =	shalt  }
0x7f: {  	_ =	shalt  }
0x80: {  	_ =	shalt  }
0x81: {  	_ =	shalt  }
0x82: {  	_ =	shalt  }
0x83: {  	_ =	shalt  }
0x84: {  	_ =	shalt  }
0x85: {  	_ =	shalt  }
0x86: {  	_ =	shalt  }
0x87: {  	_ =	shalt  }
.Lfunc_end0:
.L_simem_size_0:
called_computation_lowered:
.L_overlay_start_0:
0x88: {  	s2 =	sld [smem:$0x3FD9]  }
0x89: {  	s3 =	sld [smem:$0x3FFE];
	_ =	sdelay $0x1  }
0x8a: {  	s1 =	srdreg.scid  }
0x8b: {  	s0 =	sand.u32 $0x1, s1  }
0x8c: {  	s17 =	sshll.u32 s0, $0xA;
	s2 =	sadd.s32 s3, s2  }
0x8d: {  	s2 =	sadd.s32 s2, s17  }
0x8e: {  	[smem:$0x3FBE] =	sst s2  }
0x8f: {  	_ = 	snop  }
0x90: {  	s2 =	sld [smem:$0x3FC8];
	(tm) =	ssettm $0x1  }
0x91: {  	s18 =	sld [smem:$0x3FFB];
	_ =	sdelay $0x3  }
0x92: {  	_ =	strace s18  }
0x93: {  	s3 =	sld [smem:$0x3FFC];
	_ =	sdelay $0x3  }
0x94: {  	_ =	strace s3  }
0x95: {  	s3 =	sld [smem:$0x3FFD];
	_ =	sdelay $0x3  }
0x96: {  	_ =	strace s3  }
0x97: {  	_ =	strace $0x8FFFFFFF  }
0x98: {  	s19 =	sld [smem:$0x3FDB];
	_ =	sdelay $0x1  }
0x99: {  	s4 =	simm.s32 $_scs_section_size  }
0x9a: {  	s5 =	simm.s32 $_size__tile_overlayer_lowered;
	s6 =	simm.s32 $_tile_overlayer_lowered  }
0x9b: {  	s22 =	simm.s32 $0x1BFF;
	s21 =	sshll.u32 s6, $0x1;
	s3 =	sadd.s32 s4, s19  }
0x9c: {  	s7 =	simm.s32 $0x0;
	s20 =	sshll.u32 s5, $0x1;
	s5 =	sadd.s32 s21, s3  }
0x9d: {  	[timem:s7], [sflag:s22] =	dma.local [hbm:s5], s20  }
0x9e: {  	_ =	swait.ge [sflag:s22], s20  }
0x9f: {  	s4 =	ssub.s32 $0x0, s20;
	[sflag:s22] =	ssyncset.done $0x0  }
0xa0: {  	[sflag:s22] =	ssyncadd.s32 s4;
	_ =	sdelay $0x1  }
0xa1: {  	s23 =	simm.s32 $0x1B8B  }
0xa2: {  	_ =	swait.ge [sflag:s23], $0x1  }
0xa3: {  	[sflag:s23] =	ssyncset.done $0x0  }
0xa4: {  	s25 =	simm.s32 $0x1B8E;
	s24 =	sld [smem:$0x3FFE];
	[sflag:s23] =	ssyncadd.s32 $0xFFFFFFFF  }
0xa5: {  	s26 =	simm.s32 $execute0_lowered;
	[smem:$0x3FD2] =	sst s25  }
0xa6: {  	s5 =	sshll.u32 s26, $0x1;
	_ =	strace $0x80000046;
	[dreg:$0x1] =	wrdreg $0xFFFFFFFF  }
0xa7: {  	s28 =	simm.s32 $_size_execute0_lowered;
	s3 =	sadd.s32 s3, s5;
	[dreg:$0x0] =	wrdreg $0x0  }
0xa8: {  	s5 =	sshll.u32 s28, $0x1;
	[dreg:$0x2] =	wrdreg s3  }
0xa9: {  	[dreg:$0x3] =	wrdreg s5  }
0xaa: {  	[dreg:$0x4] =	wrdreg $0xC0  }
0xab: {  	_ =	task [dreg:s7], $0x5FFFF  }
0xac: {  	[dreg:$0x1] =	wrdreg $0xFFFFFFFF  }
0xad: {  	[dreg:$0x0] =	wrdreg $0x60  }
0xae: {  	[dreg:$0x2] =	wrdreg s24  }
0xaf: {  	[dreg:$0x3] =	wrdreg s2  }
0xb0: {  	[dreg:$0x4] =	wrdreg $0x9  }
0xb1: {  	_ =	task.clear_ibuf [dreg:s7], $0x5FFFF;
	_ =	strace $0x90000046  }
0xb2: {  	s29 =	simm.s32 $0x9;
	_ =	strace $0x80000048  }
0xb3: {  	_ =	swait.ge [sflag:s29], $0x1  }
0xb4: {  	[sflag:s29] =	ssyncadd.s32 $0xFFFFFFFF  }
0xb5: {  	_ =	strace $0x90000048  }
0xb6: {  	_ =	sfence  }
0xb7: {  	s30 =	sld [smem:$0x0];
	_ =	sdelay $0x2  }
0xb8: {  	s31 =	sshll.u32 s1, $0xD;
	s1 =	sshrl.u32 s1, $0x2  }
0xb9: {  	s3 =	sand.u32 $0x4000, s31;
	s1 =	sadd.s32 s1, s30  }
0xba: {  	s0 =	sor.u32 s3, s0;
	s1 =	sshll.u32 s1, $0x11  }
0xbb: {  	s0 =	sor.u32 s1, s0  }
0xbc: {  	s0 =	sadd.s32 $0x8F2B, s0  }
0xbd: {  	[sflag:s0] =	ssyncadd.remote.s32 $0x1  }
0xbe: {  	_ =	sfence.sel $0xFFFF  }
0xbf: {  	[dreg:$0x0] =	wrdreg $0xFFFFFFFF;
	(pc) =	sbr.abs _section_cstart, $3  }
0xc0: {  	[dreg:$0x1] =	wrdreg $0xFFFFFFFF  }
0xc1: {  	_ =	task.clear_ibuf [dreg:s7], $0x2FFFF;
	_ =	strace $0x9FFFFFFF  }
0xc2: {  	(tm) =	ssettm $0x7FFFFFFF  }
0xc3: {  	_ =	shalt  }
tec
execute0_lowered:
.L_overlay_start_1:
0x0: {  	(tag) =	ssettag $0x1  }
0x1: {  	s5 =	rddreg [dreg:$0x0]  }
0x2: {  	s6 =	rddreg [dreg:$0x1]  }
0x3: {  	s0 =	rddreg [dreg:$0x2]  }
0x4: {  	s2 =	simm.s32 $0x0;
	s3 =	srdreg.scid;
	s1 =	stileid.u32  }
0x5: {  	s10 =	simm.s32 $0x1000;
	s11 =	simm.s32 $0x1;
	s12 =	simm.s32 $0x0  }
0x6: {  	[smem:$0x7FF] =	sst s2;
	s3 =	sand.u32 $0x1, s3;
	s4 =	sshll.u32 s1, $0xA  }
0x7: {  	_ =	strace $0x80000047;
	s7 =	ssub.s32 $0x2, s3;
	s8 =	sshll.u32 s3, $0x9  }
0x8: {  	s3 =	sadd.s32 $0xC36000, s5;
	s5 =	sadd.s32 $0x1000, s5;
	s9 =	sshrl.u32 s7, $0x1  }
0x9: {  	s4 =	sor.u32 s8, s4;
	s8 =	simm.s32 $0x2;
	s7 =	ssub.s32 s7, s9  }
0xa: {  	s6 =	sadd.s32 s6, s4;
	s9 =	simm.s32 $0x80;
	s7 =	smax.u32 s7, $0x1  }
.LBB2_1:
0xb: {  	[tilespmem:s2], [sflag:$0x2] =	stream.linear.gather [hbm4b:s6+s2], $0x1000, $0x38;
	[tilespmem:$0x5000] =	vst v63  }
0xc: {  	s13 =	simm.s32 $0x0;
	s14 =	simm.s32 $0x0  }
0xd: {  	s15 =	sand.u32 $0x180, s2;
	_ =	swait.ge [sflag:s8], $0x1000;
	s13 =	smul.u32 $0x186A00, s13  }
0xe: {  	s16 =	sshll.u32 s15, $0x3;
	s14 =	sand.u32 $0x3FFFFF80, s14;
	[sflag:s8] =	ssyncset.done $0x0  }
0xf: {  	s14 =	sadd.s32 s14, s16;
	[sflag:s8] =	ssyncadd.s32 $0xFFFFF000;
	s13 =	sadd.s32 s3, s13  }
0x10: {  	[tilespmem:s10], [sflag:$0x1] =	stream.indirect.gather [hbm4b:s13+s9], $0x80, s14, s9, $0xb8;
	[tilespmem:$0x5000] =	vst v63  }
0x11: {  	s30 =	sor.u32 s4, s15;
	_ =	swait.ge [sflag:s11], $0x4000  }
0x12: {  	s31 =	sadd.s32 $0x0, s5;
	s13 =	sshll.u32 s30, $0x4;
	[sflag:s11] =	ssyncset.done $0x0  }
0x13: {  	s13 =	sadd.s32 s13, s31;
	[sflag:s11] =	ssyncadd.s32 $0xFFFFC000  }
0x14: {  	[hbm4b:s13+s2] =	stream.linear.scatter [tilespmem:s10], [sflag:$0x2], $0x4000, $0x38;
	[tilespmem:$0x5000] =	vst v63  }
0x15: {  	s15 =	simm.s32 $0x2;
	s16 =	simm.s32 $0x20;
	_ =	swait.ge [sflag:s8], $0x4000  }
0x16: {  	s14 =	simm.s32 $0x0;
	s13 =	simm.s32 $0x80;
	[sflag:s8] =	ssyncset.done $0x0  }
.LBB2_2:
0x17: {  	s17 =	sand.u32 $0x180, s13;
	s18 =	smul.u32 $0x186A00, s14  }
0x18: {  	[sflag:s8] =	ssyncadd.s32 $0xFFFFC000;
	s19 =	smov.u32 s15;
	s16 =	sand.u32 $0x3FFFFF80, s16  }
0x19: {  	s21 =	sadd.s32 $0x1, s15;
	s20 =	sshll.u32 s17, $0x3;
	s17 =	sor.u32 s4, s17  }
0x1a: {  	s14 =	sshll.u32 s14, $0x12;
	s16 =	sadd.s32 s16, s20;
	s18 =	sadd.s32 s3, s18  }
0x1b: {  	[tilespmem:s10], [sflag:$0x1] =	stream.indirect.gather [hbm4b:s18+s9], $0x80, s16, s9, $0xb8;
	[tilespmem:$0x5000] =	vst v63  }
0x1c: {  	p0 =	sne.s32 s15, $0x1F;
	s16 =	sshll.u32 s17, $0x4;
	_ =	swait.ge [sflag:s11], $0x4000  }
.Ltmp0:
0x1d: {  	s14 =	sadd.s32 s5, s14;
	[sflag:s11] =	ssyncset.done $0x0;
	(pc) =	sbr.rel @p0 .LBB2_2-.Ltmp0, $4  }
0x1e: {  	s14 =	sadd.s32 s16, s14;
	[sflag:s11] =	ssyncadd.s32 $0xFFFFC000  }
0x1f: {  	[hbm4b:s14+s2] =	stream.linear.scatter [tilespmem:s10], [sflag:$0x2], $0x4000, $0x38;
	[tilespmem:$0x5000] =	vst v63  }
0x20: {  	s13 =	sadd.s32 $0x80, s13;
	s15 =	smov.u32 s21;
	_ =	swait.ge [sflag:s8], $0x4000  }
0x21: {  	s16 =	sshll.u32 s19, $0x5;
	s14 =	sshrl.u32 s19, $0x2;
	[sflag:s8] =	ssyncset.done $0x0  }
0x22: {  	s13 =	sand.u32 $0x180, s13  }
0x23: {  	s15 =	smul.u32 $0x186A00, s14;
	s16 =	sand.u32 $0x3FFFFF80, s16  }
0x24: {  	[sflag:s8] =	ssyncadd.s32 $0xFFFFC000;
	s31 =	sshll.u32 s14, $0x12;
	s17 =	sshll.u32 s13, $0x3  }
0x25: {  	s12 =	sadd.s32 $0x1, s12;
	s16 =	sadd.s32 s16, s17;
	s15 =	sadd.s32 s3, s15  }
0x26: {  	[tilespmem:s10], [sflag:$0x1] =	stream.indirect.gather [hbm4b:s15+s9], $0x80, s16, s9, $0xb8;
	[tilespmem:$0x5000] =	vst v63  }
0x27: {  	s13 =	sor.u32 s4, s13;
	s14 =	sadd.s32 s5, s31;
	_ =	swait.ge [sflag:s11], $0x4000  }
0x28: {  	p0 =	sne.s32 s12, s7;
	s13 =	sshll.u32 s13, $0x4;
	[sflag:s11] =	ssyncset.done $0x0  }
.Ltmp1:
0x29: {  	s13 =	sadd.s32 s13, s14;
	[sflag:s11] =	ssyncadd.s32 $0xFFFFC000;
	(pc) =	sbr.rel @p0 .LBB2_1-.Ltmp1, $4  }
0x2a: {  	[hbm4b:s13+s2] =	stream.linear.scatter [tilespmem:s10], [sflag:$0x2], $0x4000, $0x38;
	[tilespmem:$0x5000] =	vst v63  }
0x2b: {  	_ =	swait.ge [sflag:s8], $0x4000  }
0x2c: {  	[sflag:s8] =	ssyncset.done $0x0  }
0x2d: {  	[sflag:s8] =	ssyncadd.s32 $0xFFFFC000  }
0x2e: {  	_ =	sfence.sel $0x180000  }
0x2f: {  	[bflag:$0x0] =	sbarrier.arrive $0xFFFF  }
0x30: {  	p0 =	sne.s32 s1, $0x0;
	_ =	strace $0x90000047  }
0x31: {  	s0 =	sadd.s32 @!p0 $0x100000, s0;
	[bflag:$0x2] =	sbarrier.arrive $0xFFFF  }
0x32: {  	[sflag:s0] =	ssyncadd.tile.s32 @!p0 $0x1;
	_ =	shalt  }
.Lfunc_end2:
_tile_overlayer_lowered:
.L_overlay_start_2:
0x33: {  	(tag) =	ssettag $0x2  }
0x34: {  	s0 =	rddreg [dreg:$0x0];
	s2 =	stileid.u32  }
0x35: {  	s1 =	rddreg [dreg:$0x1];
	p0 =	sne.s32 s2, $0x0  }
0x36: {  	s3 =	rddreg [dreg:$0x2];
	[bflag:$0x3] =	sbarrier.arrive $0xFFFF;
	s2 =	simm.s32 @!p0 $0x1C02  }
0x37: {  	[timem:s3], [sflag:s2] =	dma.local @!p0 [hbm:s0], s1  }
0x38: {  	s0 =	simm.s32 @!p0 $0x2  }
0x39: {  	_ =	swait.ge @!p0 [sflag:s0], s1  }
0x3a: {  	s1 =	ssub.s32 @!p0 $0x0, s1;
	[sflag:s0] =	ssyncset.done @!p0 $0x0  }
0x3b: {  	[sflag:s0] =	ssyncadd.s32 @!p0 s1  }
0x3c: {  	[bflag:$0x3] =	sbarrier.arrive $0xFFFF  }
0x3d: {  	_ =	shalt  }

</sc_bundles>
